<compile_context>
chip_gen: v7x
topology: tpu7x:2x2x1
jax: 0.10.2.dev20260603
libtpu: 0.0.44.dev20260713+nightly
codegen_flags: <defaults>
</compile_context>

<pallas_src>
import functools

import jax
import jax.numpy as jnp
from jax import lax
from jax.experimental import pallas as pl
from jax.experimental.pallas import tpu as pltpu
from jax.experimental.pallas import tpu_sc as plsc

B, T, D = 32, 64, 512
EMB = 1024
CODE_DIM = 64
NUM_CODES = 1024
BETA = 0.25

N = B * T
TILE = 1024
GRID = N // TILE


def _vq_kernel(s_ref, ns_ref, ws_ref, bs_ref, wp_ref, bp_ref, cb_ref,
               enc_ref, idx_ref, cbt_ref, loss_ref, perp_ref,
               err_acc, cnt_acc, cbsq_s):
    i = pl.program_id(0)

    @pl.when(i == 0)
    def _init():
        err_acc[0, 0] = 0.0
        cnt_acc[...] = jnp.zeros_like(cnt_acc)
        cbt_ref[...] = cb_ref[...].T
        cbsq_s[...] = jnp.sum(cb_ref[...] * cb_ref[...], axis=0, keepdims=True)

    s = jnp.dot(s_ref[...], ws_ref[...], preferred_element_type=jnp.float32)
    ns = jnp.dot(ns_ref[...], ws_ref[...], preferred_element_type=jnp.float32)
    s = jax.nn.gelu(s + bs_ref[...])
    ns = jax.nn.gelu(ns + bs_ref[...])
    z = (jnp.dot(s, wp_ref[:EMB, :], preferred_element_type=jnp.float32)
         + jnp.dot(ns, wp_ref[EMB:, :], preferred_element_type=jnp.float32)
         + bp_ref[...])

    cross = jnp.dot(z, cb_ref[...], preferred_element_type=jnp.float32)
    z_sq = jnp.sum(z * z, axis=1, keepdims=True)
    dist = z_sq - 2.0 * cross + cbsq_s[...]

    idx = jnp.argmin(dist, axis=1).astype(jnp.int32)
    ids = jax.lax.broadcasted_iota(jnp.int32, (TILE, NUM_CODES), 1)
    enc = (ids == idx[:, None]).astype(jnp.float32)
    enc_ref[...] = enc
    idx_ref[...] = idx.reshape(1, 1, TILE)

    err_acc[0, 0] += jnp.sum(jnp.min(dist, axis=1))
    cnt_acc[...] += jnp.sum(enc, axis=0, keepdims=True)

    @pl.when(i == GRID - 1)
    def _fini():
        loss_ref[0, 0] = BETA * err_acc[0, 0] / (N * CODE_DIM)
        p = cnt_acc[...] / N
        perp_ref[0, 0] = jnp.exp(-jnp.sum(p * jnp.log(p + 1e-10)))


_SC_INFO = plsc.get_sparse_core_info()
_NW = _SC_INFO.num_cores * _SC_INFO.num_subcores
_TOK_W = N // _NW


def _sc_gather(cbt, idx_flat):
    mesh = plsc.VectorSubcoreMesh(core_axis_name="c", subcore_axis_name="s")

    @functools.partial(
        pl.kernel, mesh=mesh,
        out_type=jax.ShapeDtypeStruct((N, CODE_DIM), jnp.float32),
        compiler_params=pltpu.CompilerParams(use_tc_tiling_on_sc=False),
        scratch_types=[
            pltpu.VMEM((_TOK_W,), jnp.int32),
            pltpu.VMEM((_TOK_W, CODE_DIM), jnp.float32),
            pltpu.SemaphoreType.DMA,
        ],
    )
    def k(cbt_hbm, idx_hbm, out_hbm, idx_v, rows_v, sem):
        wid = lax.axis_index("s") * _SC_INFO.num_cores + lax.axis_index("c")
        base = wid * _TOK_W
        pltpu.sync_copy(idx_hbm.at[pl.ds(base, _TOK_W)], idx_v)
        pltpu.async_copy(cbt_hbm.at[idx_v], rows_v, sem).wait()
        pltpu.sync_copy(rows_v, out_hbm.at[pl.ds(base, _TOK_W)])

    return k(cbt, idx_flat)


@jax.jit
def kernel(states, next_states, W_s, b_s, W_p, b_p, codebook):
    s2 = states.reshape(N, D)
    ns2 = next_states.reshape(N, D)

    enc, idx, cbt, loss, perp = pl.pallas_call(
        _vq_kernel,
        grid=(GRID,),
        in_specs=[
            pl.BlockSpec((TILE, D), lambda i: (i, 0)),
            pl.BlockSpec((TILE, D), lambda i: (i, 0)),
            pl.BlockSpec((D, EMB), lambda i: (0, 0)),
            pl.BlockSpec((EMB,), lambda i: (0,)),
            pl.BlockSpec((2 * EMB, CODE_DIM), lambda i: (0, 0)),
            pl.BlockSpec((CODE_DIM,), lambda i: (0,)),
            pl.BlockSpec((CODE_DIM, NUM_CODES), lambda i: (0, 0)),
        ],
        out_specs=[
            pl.BlockSpec((TILE, NUM_CODES), lambda i: (i, 0)),
            pl.BlockSpec((1, 1, TILE), lambda i: (i, 0, 0)),
            pl.BlockSpec((NUM_CODES, CODE_DIM), lambda i: (0, 0)),
            pl.BlockSpec(memory_space=pltpu.SMEM),
            pl.BlockSpec(memory_space=pltpu.SMEM),
        ],
        out_shape=[
            jax.ShapeDtypeStruct((N, NUM_CODES), jnp.float32),
            jax.ShapeDtypeStruct((GRID, 1, TILE), jnp.int32),
            jax.ShapeDtypeStruct((NUM_CODES, CODE_DIM), jnp.float32),
            jax.ShapeDtypeStruct((1, 1), jnp.float32),
            jax.ShapeDtypeStruct((1, 1), jnp.float32),
        ],
        scratch_shapes=[
            pltpu.SMEM((1, 1), jnp.float32),
            pltpu.VMEM((1, NUM_CODES), jnp.float32),
            pltpu.VMEM((1, NUM_CODES), jnp.float32),
        ],
        compiler_params=pltpu.CompilerParams(
            dimension_semantics=("arbitrary",),
        ),
    )(s2, ns2, W_s, b_s, W_p, b_p, codebook)

    quant = _sc_gather(cbt, idx.reshape(N))
    quantize_st = quant.reshape(B, T, CODE_DIM)
    encoding_indices = idx.reshape(B, T)
    return quantize_st, loss.reshape(()), perp.reshape(()), enc, encoding_indices

# --- scband reference (transcript-rebuilt; emitter-appended) ---
"""Pipeline reference for scband-latent-action-idm-31911607009321 (READ-ONLY COPY).

The authoritative reference and input builder live on the scoring server;
editing this copy changes nothing except your own understanding.
"""

import jax, jax.numpy as jnp
import numpy as np

B, T, D = 32, 64, 512
EMB = 1024
CODE_DIM = 64
NUM_CODES = 1024
BETA = 0.25


def setup_inputs(seed: int = 0) -> dict:
    key = jax.random.key(seed)
    ks = jax.random.split(key, 8)
    states = jax.random.normal(ks[0], (B, T, D), dtype=jnp.float32)
    next_states = jax.random.normal(ks[1], (B, T, D), dtype=jnp.float32)
    W_s = jax.random.normal(ks[2], (D, EMB), dtype=jnp.float32) * (2.0 / D) ** 0.5
    b_s = jnp.zeros((EMB,), dtype=jnp.float32)
    W_p = jax.random.normal(ks[3], (2 * EMB, CODE_DIM), dtype=jnp.float32) * (2.0 / (2 * EMB)) ** 0.5
    b_p = jnp.zeros((CODE_DIM,), dtype=jnp.float32)
    codebook = jax.random.normal(ks[4], (CODE_DIM, NUM_CODES), dtype=jnp.float32)
    return {"states": states, "next_states": next_states, "W_s": W_s, "b_s": b_s,
            "W_p": W_p, "b_p": b_p, "codebook": codebook}


def reference(states, next_states, W_s, b_s, W_p, b_p, codebook):
    # state embedding (non-image path: hk.Linear)
    s = states @ W_s + b_s
    ns = next_states @ W_s + b_s
    # concat + gelu + policy head -> latent actions (continuous codes)
    pi = jax.nn.gelu(jnp.concatenate([s, ns], axis=-1))
    z = pi @ W_p + b_p  # (B, T, CODE_DIM)
    # hk.nets.VectorQuantizerEMA forward math
    flat = z.reshape(-1, CODE_DIM)
    dist = (jnp.sum(flat ** 2, axis=1, keepdims=True)
            - 2.0 * flat @ codebook
            + jnp.sum(codebook ** 2, axis=0, keepdims=True))
    encoding_indices = jnp.argmin(dist, axis=1)
    encodings = jax.nn.one_hot(encoding_indices, NUM_CODES, dtype=jnp.float32)
    quantize = jnp.take(codebook.T, encoding_indices, axis=0).reshape(z.shape)
    e_latent_loss = jnp.mean((jax.lax.stop_gradient(quantize) - z) ** 2)
    loss = BETA * e_latent_loss  # EMA variant: commitment loss only
    quantize_st = z + jax.lax.stop_gradient(quantize - z)
    avg_probs = jnp.mean(encodings, axis=0)
    perplexity = jnp.exp(-jnp.sum(avg_probs * jnp.log(avg_probs + 1e-10)))
    encoding_indices = encoding_indices.reshape(z.shape[:-1])
    # LAMOutputs(z_e=encodings, z_q=quantize, codebook_loss=loss, encoding_indices=...)
    return quantize_st, loss, perplexity, encodings, encoding_indices

if __name__ == "__main__":
    import jax
    _d = setup_inputs()
    print(jax.jit(kernel)(*tuple(_d.values())))

</pallas_src>

<mosaic_0001>
#map = affine_map<(d0, d1) -> (0, 0)>
#map1 = affine_map<(d0, d1) -> (0)>
module attributes {stable_mosaic.version = 14 : i64} {
  func.func @k(%arg0: i32, %arg1: i32, %arg2: memref<1024x64xf32, #tpu.memory_space<hbm>>, %arg3: memref<2048xi32, #tpu.memory_space<hbm>>, %arg4: memref<2048x64xf32, #tpu.memory_space<hbm>>, %arg5: memref<64xi32, #tpu.memory_space<vmem>>, %arg6: memref<64x64xf32, #tpu.memory_space<vmem>>, %arg7: memref<!tpu.dma_semaphore, #tpu.memory_space<semaphore_mem>>) attributes {dimension_semantics = [#tpu.dimension_semantics<core_parallel>, #tpu.dimension_semantics<subcore_parallel>], iteration_bounds = array<i64: 2, 16>, scalar_prefetch = 0 : i64, scratch_operands = 3 : i64, tpu.core_type = #tpu.core_type<sc_vector_subcore>, window_params = [{transform_indices = #map}, {transform_indices = #map1}, {transform_indices = #map}]} {
    %mul3A = arith.constant 2 : i32
    %mul3A_0 = arith.muli %arg1, %mul3A : i32
    %add3A = arith.addi %mul3A_0, %arg0 : i32
    %mul3A_1 = arith.constant 64 : i32
    %mul3A_2 = arith.muli %add3A, %mul3A_1 : i32
    "tpu.region"() ({
      %run_scoped3A = tpu.sem_alloc : memref<!tpu.dma_semaphore, #tpu.memory_space<semaphore_mem>>
      %dma_start3A_7 = tpu.memref_slice %arg3[%mul3A_2] : memref<2048xi32, #tpu.memory_space<hbm>> -> memref<64xi32, #tpu.memory_space<hbm>>
      %dma_start3A_8 = tpu.memref_slice %arg3[%mul3A_2] : memref<2048xi32, #tpu.memory_space<hbm>> -> memref<64xi32, #tpu.memory_space<hbm>>
      tpu.enqueue_dma source(%dma_start3A_8 : memref<64xi32, #tpu.memory_space<hbm>>) target(%arg5 : memref<64xi32, #tpu.memory_space<vmem>>) target_semaphore(%run_scoped3A : memref<!tpu.dma_semaphore, #tpu.memory_space<semaphore_mem>>)
      %dma_wait3A_9 = tpu.memref_slice %arg3[%mul3A_2] : memref<2048xi32, #tpu.memory_space<hbm>> -> memref<64xi32, #tpu.memory_space<hbm>>
      %dma_wait3A_10 = tpu.memref_slice %arg3[%mul3A_2] : memref<2048xi32, #tpu.memory_space<hbm>> -> memref<64xi32, #tpu.memory_space<hbm>>
      tpu.wait_dma2 semaphore(%run_scoped3A : memref<!tpu.dma_semaphore, #tpu.memory_space<semaphore_mem>>) src(%dma_wait3A_10 : memref<64xi32, #tpu.memory_space<hbm>>) dst(%arg5 : memref<64xi32, #tpu.memory_space<vmem>>)
      tpu.yield
    }) : () -> ()
    %dma_start3A = arith.constant 0 : i32
    %dma_start3A_3 = arith.constant 0 : i32
    %dma_start3A_4 = tpu.memref_slice %arg2[%dma_start3A, %dma_start3A_3] : memref<1024x64xf32, #tpu.memory_space<hbm>> -> memref<1024x64xf32, #tpu.memory_space<hbm>>
    tpu.enqueue_indirect_dma source(%dma_start3A_4 : memref<1024x64xf32, #tpu.memory_space<hbm>>) target(%arg6 : memref<64x64xf32, #tpu.memory_space<vmem>>) offsets(%arg5 : memref<64xi32, #tpu.memory_space<vmem>>) semaphore(%arg7 : memref<!tpu.dma_semaphore, #tpu.memory_space<semaphore_mem>>)
    %dma_wait3A = arith.constant 0 : i32
    %dma_wait3A_5 = arith.constant 0 : i32
    %dma_wait3A_6 = tpu.memref_slice %arg2[%dma_wait3A, %dma_wait3A_5] : memref<1024x64xf32, #tpu.memory_space<hbm>> -> memref<1024x64xf32, #tpu.memory_space<hbm>>
    tpu.wait_indirect_dma semaphore(%arg7 : memref<!tpu.dma_semaphore, #tpu.memory_space<semaphore_mem>>) src(%dma_wait3A_6 : memref<1024x64xf32, #tpu.memory_space<hbm>>) dst(%arg6 : memref<64x64xf32, #tpu.memory_space<vmem>>)
    "tpu.region"() ({
      %run_scoped3A = tpu.sem_alloc : memref<!tpu.dma_semaphore, #tpu.memory_space<semaphore_mem>>
      %dma_start3A_7 = arith.constant 0 : i32
      %dma_start3A_8 = tpu.memref_slice %arg4[%mul3A_2, %dma_start3A_7] : memref<2048x64xf32, #tpu.memory_space<hbm>> -> memref<64x64xf32, #tpu.memory_space<hbm>>
      %dma_start3A_9 = arith.constant 0 : i32
      %dma_start3A_10 = tpu.memref_slice %arg4[%mul3A_2, %dma_start3A_9] : memref<2048x64xf32, #tpu.memory_space<hbm>> -> memref<64x64xf32, #tpu.memory_space<hbm>>
      tpu.enqueue_dma source(%arg6 : memref<64x64xf32, #tpu.memory_space<vmem>>) target(%dma_start3A_10 : memref<64x64xf32, #tpu.memory_space<hbm>>) target_semaphore(%run_scoped3A : memref<!tpu.dma_semaphore, #tpu.memory_space<semaphore_mem>>)
      %dma_wait3A_11 = arith.constant 0 : i32
      %dma_wait3A_12 = tpu.memref_slice %arg4[%mul3A_2, %dma_wait3A_11] : memref<2048x64xf32, #tpu.memory_space<hbm>> -> memref<64x64xf32, #tpu.memory_space<hbm>>
      %dma_wait3A_13 = arith.constant 0 : i32
      %dma_wait3A_14 = tpu.memref_slice %arg4[%mul3A_2, %dma_wait3A_13] : memref<2048x64xf32, #tpu.memory_space<hbm>> -> memref<64x64xf32, #tpu.memory_space<hbm>>
      tpu.wait_dma2 semaphore(%run_scoped3A : memref<!tpu.dma_semaphore, #tpu.memory_space<semaphore_mem>>) src(%arg6 : memref<64x64xf32, #tpu.memory_space<vmem>>) dst(%dma_wait3A_14 : memref<64x64xf32, #tpu.memory_space<hbm>>)
      tpu.yield
    }) : () -> ()
    return
  }
}

module attributes {stable_mosaic.version = 14 : i64} {
  func.func @_vq_kernel(%arg0: i32, %arg1: memref<1024x512xf32, #tpu.memory_space<vmem>>, %arg2: memref<1024x512xf32, #tpu.memory_space<vmem>>, %arg3: memref<512x1024xf32, #tpu.memory_space<vmem>>, %arg4: memref<1024xf32, #tpu.memory_space<vmem>>, %arg5: memref<2048x64xf32, #tpu.memory_space<vmem>>, %arg6: memref<64xf32, #tpu.memory_space<vmem>>, %arg7: memref<64x1024xf32, #tpu.memory_space<vmem>>, %arg8: memref<1024x1024xf32, #tpu.memory_space<vmem>>, %arg9: memref<1x1x1024xi32, #tpu.memory_space<vmem>>, %arg10: memref<1024x64xf32, #tpu.memory_space<vmem>>, %arg11: memref<1x1xf32, #tpu.memory_space<smem>>, %arg12: memref<1x1xf32, #tpu.memory_space<smem>>, %arg13: memref<1x1xf32, #tpu.memory_space<smem>>, %arg14: memref<1x1024xf32, #tpu.memory_space<vmem>>, %arg15: memref<1x1024xf32, #tpu.memory_space<vmem>>) attributes {dimension_semantics = [#tpu.dimension_semantics<arbitrary>], iteration_bounds = array<i64: 2>, scalar_prefetch = 0 : i64, scratch_operands = 3 : i64, tpu.core_type = #tpu.core_type<tc>, window_params = [{transform_indices = @transform_0, window_bounds = array<i64: 1024, 512>}, {transform_indices = @transform_1, window_bounds = array<i64: 1024, 512>}, {pipeline_mode = #tpu.pipeline_mode<synchronous>, transform_indices = @transform_2, window_bounds = array<i64: 512, 1024>}, {pipeline_mode = #tpu.pipeline_mode<synchronous>, transform_indices = @transform_3, window_bounds = array<i64: 1024>}, {pipeline_mode = #tpu.pipeline_mode<synchronous>, transform_indices = @transform_4, window_bounds = array<i64: 2048, 64>}, {pipeline_mode = #tpu.pipeline_mode<synchronous>, transform_indices = @transform_5, window_bounds = array<i64: 64>}, {pipeline_mode = #tpu.pipeline_mode<synchronous>, transform_indices = @transform_6, window_bounds = array<i64: 64, 1024>}, {transform_indices = @transform_7, window_bounds = array<i64: 1024, 1024>}, {transform_indices = @transform_8, window_bounds = array<i64: 1, 1, 1024>}, {pipeline_mode = #tpu.pipeline_mode<synchronous>, transform_indices = @transform_9, window_bounds = array<i64: 1024, 64>}, {transform_indices = @transform_10, window_bounds = array<i64: 1, 1>}, {transform_indices = @transform_11, window_bounds = array<i64: 1, 1>}]} {
    %eq3A = arith.constant 0 : i32
    %eq3A_0 = arith.cmpi eq, %arg0, %eq3A : i32
    %convert_element_type3A = arith.extui %eq3A_0 : i1 to i32
    %cond3A = arith.constant 0 : i32
    %cond3A_1 = arith.cmpi ne, %convert_element_type3A, %cond3A : i32
    scf.if %cond3A_1 {
      %swap3A_127 = arith.constant 0.000000e+00 : f32
      %swap3A_128 = arith.constant 0 : index
      %swap3A_129 = arith.constant 0 : index
      %swap3A_130 = memref.load %arg13[%swap3A_128, %swap3A_129] : memref<1x1xf32, #tpu.memory_space<smem>>
      memref.store %swap3A_127, %arg13[%swap3A_128, %swap3A_129] : memref<1x1xf32, #tpu.memory_space<smem>>
      %broadcast_in_dim3A_131 = arith.constant 0.000000e+00 : f32
      %broadcast_in_dim3A_132 = vector.broadcast %broadcast_in_dim3A_131 : f32 to vector<1x1024xf32>
      %swap3A_133 = arith.constant 0 : index
      %swap3A_134 = arith.constant 0 : index
      %swap3A_135 = vector.load %arg14[%swap3A_133, %swap3A_134] : memref<1x1024xf32, #tpu.memory_space<vmem>>, vector<1x1024xf32>
      tpu.vector_store %arg14[%swap3A_133, %swap3A_134], %broadcast_in_dim3A_132 {strides = array<i32>} : memref<1x1024xf32, #tpu.memory_space<vmem>>, vector<1x1024xf32>,
      %get3A_136 = arith.constant 0 : index
      %get3A_137 = arith.constant 0 : index
      %get3A_138 = vector.load %arg7[%get3A_136, %get3A_137] : memref<64x1024xf32, #tpu.memory_space<vmem>>, vector<64x1024xf32>
      %transpose3A = tpu.transpose %get3A_138, [1, 0] : vector<64x1024xf32> -> vector<1024x64xf32>
      %swap3A_139 = arith.constant 0 : index
      %swap3A_140 = arith.constant 0 : index
      %swap3A_141 = vector.load %arg10[%swap3A_139, %swap3A_140] : memref<1024x64xf32, #tpu.memory_space<vmem>>, vector<1024x64xf32>
      tpu.vector_store %arg10[%swap3A_139, %swap3A_140], %transpose3A {strides = array<i32>} : memref<1024x64xf32, #tpu.memory_space<vmem>>, vector<1024x64xf32>,
      %get3A_142 = arith.constant 0 : index
      %get3A_143 = arith.constant 0 : index
      %get3A_144 = vector.load %arg7[%get3A_142, %get3A_143] : memref<64x1024xf32, #tpu.memory_space<vmem>>, vector<64x1024xf32>
      %get3A_145 = arith.constant 0 : index
      %get3A_146 = arith.constant 0 : index
      %get3A_147 = vector.load %arg7[%get3A_145, %get3A_146] : memref<64x1024xf32, #tpu.memory_space<vmem>>, vector<64x1024xf32>
      %mul3A_148 = arith.mulf %get3A_144, %get3A_147 : vector<64x1024xf32>
      %reduce_sum3A_149 = arith.constant dense<0.000000e+00> : vector<1024xf32>
      %reduce_sum3A_150 = vector.multi_reduction <add>, %mul3A_148, %reduce_sum3A_149 [0] : vector<64x1024xf32> to vector<1024xf32>
      %broadcast_in_dim3A_151 = vector.shape_cast %reduce_sum3A_150 : vector<1024xf32> to vector<1x1024xf32>
      %swap3A_152 = arith.constant 0 : index
      %swap3A_153 = arith.constant 0 : index
      %swap3A_154 = vector.load %arg15[%swap3A_152, %swap3A_153] : memref<1x1024xf32, #tpu.memory_space<vmem>>, vector<1x1024xf32>
      tpu.vector_store %arg15[%swap3A_152, %swap3A_153], %broadcast_in_dim3A_151 {strides = array<i32>} : memref<1x1024xf32, #tpu.memory_space<vmem>>, vector<1x1024xf32>,
    } else {
    }
    %get3A = arith.constant 0 : index
    %get3A_2 = arith.constant 0 : index
    %get3A_3 = vector.load %arg1[%get3A, %get3A_2] : memref<1024x512xf32, #tpu.memory_space<vmem>>, vector<1024x512xf32>
    %get3A_4 = arith.constant 0 : index
    %get3A_5 = arith.constant 0 : index
    %get3A_6 = vector.load %arg3[%get3A_4, %get3A_5] : memref<512x1024xf32, #tpu.memory_space<vmem>>, vector<512x1024xf32>
    %dot_general3A = arith.constant dense<0.000000e+00> : vector<1024x1024xf32>
    %dot_general3A_7 = tpu.matmul %get3A_3, %get3A_6, %dot_general3A {dimension_numbers = #tpu.dot_dimension_numbers<[1], [0], [0], [1], [0, 0, 1, 1], [], []>, transpose_lhs_hint = false} : vector<1024x512xf32>, vector<512x1024xf32>, vector<1024x1024xf32> -> vector<1024x1024xf32>
    %get3A_8 = arith.constant 0 : index
    %get3A_9 = arith.constant 0 : index
    %get3A_10 = vector.load %arg2[%get3A_8, %get3A_9] : memref<1024x512xf32, #tpu.memory_space<vmem>>, vector<1024x512xf32>
    %get3A_11 = arith.constant 0 : index
    %get3A_12 = arith.constant 0 : index
    %get3A_13 = vector.load %arg3[%get3A_11, %get3A_12] : memref<512x1024xf32, #tpu.memory_space<vmem>>, vector<512x1024xf32>
    %dot_general3A_14 = arith.constant dense<0.000000e+00> : vector<1024x1024xf32>
    %dot_general3A_15 = tpu.matmul %get3A_10, %get3A_13, %dot_general3A_14 {dimension_numbers = #tpu.dot_dimension_numbers<[1], [0], [0], [1], [0, 0, 1, 1], [], []>, transpose_lhs_hint = false} : vector<1024x512xf32>, vector<512x1024xf32>, vector<1024x1024xf32> -> vector<1024x1024xf32>
    %get3A_16 = arith.constant 0 : index
    %get3A_17 = vector.load %arg4[%get3A_16] : memref<1024xf32, #tpu.memory_space<vmem>>, vector<1024xf32>
    %broadcast_in_dim3A = vector.shape_cast %get3A_17 : vector<1024xf32> to vector<1x1024xf32>
    %add3A = vector.broadcast %broadcast_in_dim3A : vector<1x1024xf32> to vector<1024x1024xf32>
    %add3A_18 = arith.addf %dot_general3A_7, %add3A : vector<1024x1024xf32>
    %integer_pow3A = arith.mulf %add3A_18, %add3A_18 : vector<1024x1024xf32>
    %integer_pow3A_19 = arith.mulf %add3A_18, %integer_pow3A : vector<1024x1024xf32>
    %mul3A = arith.constant 4.471500e-02 : f32
    %mul3A_20 = vector.broadcast %mul3A : f32 to vector<1024x1024xf32>
    %mul3A_21 = arith.mulf %mul3A_20, %integer_pow3A_19 : vector<1024x1024xf32>
    %add3A_22 = arith.addf %add3A_18, %mul3A_21 : vector<1024x1024xf32>
    %mul3A_23 = arith.constant 0.797884583 : f32
    %mul3A_24 = vector.broadcast %mul3A_23 : f32 to vector<1024x1024xf32>
    %mul3A_25 = arith.mulf %mul3A_24, %add3A_22 : vector<1024x1024xf32>
    %tanh3A = math.tanh %mul3A_25 : vector<1024x1024xf32>
    %add3A_26 = arith.constant 1.000000e+00 : f32
    %add3A_27 = vector.broadcast %add3A_26 : f32 to vector<1024x1024xf32>
    %add3A_28 = arith.addf %add3A_27, %tanh3A : vector<1024x1024xf32>
    %mul3A_29 = arith.constant 5.000000e-01 : f32
    %mul3A_30 = vector.broadcast %mul3A_29 : f32 to vector<1024x1024xf32>
    %mul3A_31 = arith.mulf %mul3A_30, %add3A_28 : vector<1024x1024xf32>
    %mul3A_32 = arith.mulf %add3A_18, %mul3A_31 : vector<1024x1024xf32>
    %get3A_33 = arith.constant 0 : index
    %get3A_34 = vector.load %arg4[%get3A_33] : memref<1024xf32, #tpu.memory_space<vmem>>, vector<1024xf32>
    %broadcast_in_dim3A_35 = vector.shape_cast %get3A_34 : vector<1024xf32> to vector<1x1024xf32>
    %add3A_36 = vector.broadcast %broadcast_in_dim3A_35 : vector<1x1024xf32> to vector<1024x1024xf32>
    %add3A_37 = arith.addf %dot_general3A_15, %add3A_36 : vector<1024x1024xf32>
    %integer_pow3A_38 = arith.mulf %add3A_37, %add3A_37 : vector<1024x1024xf32>
    %integer_pow3A_39 = arith.mulf %add3A_37, %integer_pow3A_38 : vector<1024x1024xf32>
    %mul3A_40 = arith.constant 4.471500e-02 : f32
    %mul3A_41 = vector.broadcast %mul3A_40 : f32 to vector<1024x1024xf32>
    %mul3A_42 = arith.mulf %mul3A_41, %integer_pow3A_39 : vector<1024x1024xf32>
    %add3A_43 = arith.addf %add3A_37, %mul3A_42 : vector<1024x1024xf32>
    %mul3A_44 = arith.constant 0.797884583 : f32
    %mul3A_45 = vector.broadcast %mul3A_44 : f32 to vector<1024x1024xf32>
    %mul3A_46 = arith.mulf %mul3A_45, %add3A_43 : vector<1024x1024xf32>
    %tanh3A_47 = math.tanh %mul3A_46 : vector<1024x1024xf32>
    %add3A_48 = arith.constant 1.000000e+00 : f32
    %add3A_49 = vector.broadcast %add3A_48 : f32 to vector<1024x1024xf32>
    %add3A_50 = arith.addf %add3A_49, %tanh3A_47 : vector<1024x1024xf32>
    %mul3A_51 = arith.constant 5.000000e-01 : f32
    %mul3A_52 = vector.broadcast %mul3A_51 : f32 to vector<1024x1024xf32>
    %mul3A_53 = arith.mulf %mul3A_52, %add3A_50 : vector<1024x1024xf32>
    %mul3A_54 = arith.mulf %add3A_37, %mul3A_53 : vector<1024x1024xf32>
    %get3A_55 = arith.constant 0 : index
    %get3A_56 = arith.constant 0 : index
    %get3A_57 = vector.load %arg5[%get3A_55, %get3A_56] : memref<2048x64xf32, #tpu.memory_space<vmem>>, vector<1024x64xf32>
    %dot_general3A_58 = arith.constant dense<0.000000e+00> : vector<1024x64xf32>
    %dot_general3A_59 = tpu.matmul %mul3A_32, %get3A_57, %dot_general3A_58 {dimension_numbers = #tpu.dot_dimension_numbers<[1], [0], [0], [1], [0, 0, 1, 1], [], []>, transpose_lhs_hint = false} : vector<1024x1024xf32>, vector<1024x64xf32>, vector<1024x64xf32> -> vector<1024x64xf32>
    %get3A_60 = arith.constant 1024 : index
    %get3A_61 = arith.constant 0 : index
    %get3A_62 = vector.load %arg5[%get3A_60, %get3A_61] : memref<2048x64xf32, #tpu.memory_space<vmem>>, vector<1024x64xf32>
    %dot_general3A_63 = arith.constant dense<0.000000e+00> : vector<1024x64xf32>
    %dot_general3A_64 = tpu.matmul %mul3A_54, %get3A_62, %dot_general3A_63 {dimension_numbers = #tpu.dot_dimension_numbers<[1], [0], [0], [1], [0, 0, 1, 1], [], []>, transpose_lhs_hint = false} : vector<1024x1024xf32>, vector<1024x64xf32>, vector<1024x64xf32> -> vector<1024x64xf32>
    %add3A_65 = arith.addf %dot_general3A_59, %dot_general3A_64 : vector<1024x64xf32>
    %get3A_66 = arith.constant 0 : index
    %get3A_67 = vector.load %arg6[%get3A_66] : memref<64xf32, #tpu.memory_space<vmem>>, vector<64xf32>
    %broadcast_in_dim3A_68 = vector.shape_cast %get3A_67 : vector<64xf32> to vector<1x64xf32>
    %add3A_69 = vector.broadcast %broadcast_in_dim3A_68 : vector<1x64xf32> to vector<1024x64xf32>
    %add3A_70 = arith.addf %add3A_65, %add3A_69 : vector<1024x64xf32>
    %get3A_71 = arith.constant 0 : index
    %get3A_72 = arith.constant 0 : index
    %get3A_73 = vector.load %arg7[%get3A_71, %get3A_72] : memref<64x1024xf32, #tpu.memory_space<vmem>>, vector<64x1024xf32>
    %dot_general3A_74 = arith.constant dense<0.000000e+00> : vector<1024x1024xf32>
    %dot_general3A_75 = tpu.matmul %add3A_70, %get3A_73, %dot_general3A_74 {dimension_numbers = #tpu.dot_dimension_numbers<[1], [0], [0], [1], [0, 0, 1, 1], [], []>, transpose_lhs_hint = false} : vector<1024x64xf32>, vector<64x1024xf32>, vector<1024x1024xf32> -> vector<1024x1024xf32>
    %mul3A_76 = arith.mulf %add3A_70, %add3A_70 : vector<1024x64xf32>
    %reduce_sum3A = arith.constant dense<0.000000e+00> : vector<1024xf32>
    %reduce_sum3A_77 = vector.multi_reduction <add>, %mul3A_76, %reduce_sum3A [1] : vector<1024x64xf32> to vector<1024xf32>
    %broadcast_in_dim3A_78 = vector.shape_cast %reduce_sum3A_77 : vector<1024xf32> to vector<1024x1xf32>
    %mul3A_79 = arith.constant 2.000000e+00 : f32
    %mul3A_80 = vector.broadcast %mul3A_79 : f32 to vector<1024x1024xf32>
    %mul3A_81 = arith.mulf %mul3A_80, %dot_general3A_75 : vector<1024x1024xf32>
    %sub3A = vector.broadcast %broadcast_in_dim3A_78 : vector<1024x1xf32> to vector<1024x1024xf32>
    %sub3A_82 = arith.subf %sub3A, %mul3A_81 : vector<1024x1024xf32>
    %get3A_83 = arith.constant 0 : index
    %get3A_84 = arith.constant 0 : index
    %get3A_85 = vector.load %arg15[%get3A_83, %get3A_84] : memref<1x1024xf32, #tpu.memory_space<vmem>>, vector<1x1024xf32>
    %add3A_86 = vector.broadcast %get3A_85 : vector<1x1024xf32> to vector<1024x1024xf32>
    %add3A_87 = arith.addf %sub3A_82, %add3A_86 : vector<1024x1024xf32>
    %argmin3A = tpu.reduce_index %add3A_87 {axis = 1 : i32, kind = #tpu.reduction_kind<arg_min>} : vector<1024x1024xf32> -> vector<1024xi32>
    %iota3A = tpu.iota {dimensions = array<i32: 1>} : vector<1024x1024xi32>
    %broadcast_in_dim3A_88 = vector.shape_cast %argmin3A : vector<1024xi32> to vector<1024x1xi32>
    %eq3A_89 = vector.broadcast %broadcast_in_dim3A_88 : vector<1024x1xi32> to vector<1024x1024xi32>
    %eq3A_90 = arith.cmpi eq, %iota3A, %eq3A_89 : vector<1024x1024xi32>
    %convert_element_type3A_91 = arith.extui %eq3A_90 : vector<1024x1024xi1> to vector<1024x1024xi32>
    %convert_element_type3A_92 = arith.sitofp %convert_element_type3A_91 : vector<1024x1024xi32> to vector<1024x1024xf32>
    %swap3A = arith.constant 0 : index
    %swap3A_93 = arith.constant 0 : index
    %swap3A_94 = vector.load %arg8[%swap3A, %swap3A_93] : memref<1024x1024xf32, #tpu.memory_space<vmem>>, vector<1024x1024xf32>
    tpu.vector_store %arg8[%swap3A, %swap3A_93], %convert_element_type3A_92 {strides = array<i32>} : memref<1024x1024xf32, #tpu.memory_space<vmem>>, vector<1024x1024xf32>,
    %reshape3A = vector.shape_cast %argmin3A : vector<1024xi32> to vector<1x1x1024xi32>
    %swap3A_95 = arith.constant 0 : index
    %swap3A_96 = arith.constant 0 : index
    %swap3A_97 = arith.constant 0 : index
    %swap3A_98 = vector.load %arg9[%swap3A_95, %swap3A_96, %swap3A_97] : memref<1x1x1024xi32, #tpu.memory_space<vmem>>, vector<1x1x1024xi32>
    tpu.vector_store %arg9[%swap3A_95, %swap3A_96, %swap3A_97], %reshape3A {strides = array<i32>} : memref<1x1x1024xi32, #tpu.memory_space<vmem>>, vector<1x1x1024xi32>,
    %get3A_99 = arith.constant 0 : index
    %get3A_100 = arith.constant 0 : index
    %get3A_101 = memref.load %arg13[%get3A_99, %get3A_100] : memref<1x1xf32, #tpu.memory_space<smem>>
    %reduce_min3A = arith.constant dense<0x7F800000> : vector<1024xf32>
    %reduce_min3A_102 = vector.multi_reduction <minimumf>, %add3A_87, %reduce_min3A [1] : vector<1024x1024xf32> to vector<1024xf32>
    %reduce_sum3A_103 = vector.shape_cast %reduce_min3A_102 : vector<1024xf32> to vector<1x1024xf32>
    %reduce_sum3A_104 = arith.constant dense<0.000000e+00> : vector<1xf32>
    %reduce_sum3A_105 = vector.multi_reduction <add>, %reduce_sum3A_103, %reduce_sum3A_104 [1] : vector<1x1024xf32> to vector<1xf32>
    %reduce_sum3A_106 = vector.shape_cast %reduce_sum3A_105 : vector<1xf32> to vector<1x1xf32>
    %reduce_sum3A_107 = vector.extract %reduce_sum3A_106[0, 0] : f32 from vector<1x1xf32>
    %add3A_108 = arith.addf %get3A_101, %reduce_sum3A_107 : f32
    %swap3A_109 = arith.constant 0 : index
    %swap3A_110 = arith.constant 0 : index
    %swap3A_111 = memref.load %arg13[%swap3A_109, %swap3A_110] : memref<1x1xf32, #tpu.memory_space<smem>>
    memref.store %add3A_108, %arg13[%swap3A_109, %swap3A_110] : memref<1x1xf32, #tpu.memory_space<smem>>
    %get3A_112 = arith.constant 0 : index
    %get3A_113 = arith.constant 0 : index
    %get3A_114 = vector.load %arg14[%get3A_112, %get3A_113] : memref<1x1024xf32, #tpu.memory_space<vmem>>, vector<1x1024xf32>
    %reduce_sum3A_115 = arith.constant dense<0.000000e+00> : vector<1024xf32>
    %reduce_sum3A_116 = vector.multi_reduction <add>, %convert_element_type3A_92, %reduce_sum3A_115 [0] : vector<1024x1024xf32> to vector<1024xf32>
    %broadcast_in_dim3A_117 = vector.shape_cast %reduce_sum3A_116 : vector<1024xf32> to vector<1x1024xf32>
    %add3A_118 = arith.addf %get3A_114, %broadcast_in_dim3A_117 : vector<1x1024xf32>
    %swap3A_119 = arith.constant 0 : index
    %swap3A_120 = arith.constant 0 : index
    %swap3A_121 = vector.load %arg14[%swap3A_119, %swap3A_120] : memref<1x1024xf32, #tpu.memory_space<vmem>>, vector<1x1024xf32>
    tpu.vector_store %arg14[%swap3A_119, %swap3A_120], %add3A_118 {strides = array<i32>} : memref<1x1024xf32, #tpu.memory_space<vmem>>, vector<1x1024xf32>,
    %eq3A_122 = arith.constant 1 : i32
    %eq3A_123 = arith.cmpi eq, %arg0, %eq3A_122 : i32
    %convert_element_type3A_124 = arith.extui %eq3A_123 : i1 to i32
    %cond3A_125 = arith.constant 0 : i32
    %cond3A_126 = arith.cmpi ne, %convert_element_type3A_124, %cond3A_125 : i32
    scf.if %cond3A_126 {
      %get3A_127 = arith.constant 0 : index
      %get3A_128 = arith.constant 0 : index
      %get3A_129 = memref.load %arg13[%get3A_127, %get3A_128] : memref<1x1xf32, #tpu.memory_space<smem>>
      %mul3A_130 = arith.constant 2.500000e-01 : f32
      %mul3A_131 = arith.mulf %mul3A_130, %get3A_129 : f32
      %div3A = arith.constant 1.310720e+05 : f32
      %div3A_132 = arith.divf %mul3A_131, %div3A : f32
      %swap3A_133 = arith.constant 0 : index
      %swap3A_134 = arith.constant 0 : index
      %swap3A_135 = memref.load %arg11[%swap3A_133, %swap3A_134] : memref<1x1xf32, #tpu.memory_space<smem>>
      memref.store %div3A_132, %arg11[%swap3A_133, %swap3A_134] : memref<1x1xf32, #tpu.memory_space<smem>>
      %get3A_136 = arith.constant 0 : index
      %get3A_137 = arith.constant 0 : index
      %get3A_138 = vector.load %arg14[%get3A_136, %get3A_137] : memref<1x1024xf32, #tpu.memory_space<vmem>>, vector<1x1024xf32>
      %div3A_139 = arith.constant 2.048000e+03 : f32
      %div3A_140 = vector.broadcast %div3A_139 : f32 to vector<1x1024xf32>
      %div3A_141 = arith.divf %get3A_138, %div3A_140 : vector<1x1024xf32>
      %add3A_142 = arith.constant 1.000000e-10 : f32
      %add3A_143 = vector.broadcast %add3A_142 : f32 to vector<1x1024xf32>
      %add3A_144 = arith.addf %div3A_141, %add3A_143 : vector<1x1024xf32>
      %log3A = math.log %add3A_144 : vector<1x1024xf32>
      %mul3A_145 = arith.mulf %div3A_141, %log3A : vector<1x1024xf32>
      %reduce_sum3A_146 = vector.shape_cast %mul3A_145 : vector<1x1024xf32> to vector<1x1x1024xf32>
      %reduce_sum3A_147 = arith.constant dense<0.000000e+00> : vector<1xf32>
      %reduce_sum3A_148 = vector.multi_reduction <add>, %reduce_sum3A_146, %reduce_sum3A_147 [1, 2] : vector<1x1x1024xf32> to vector<1xf32>
      %reduce_sum3A_149 = vector.shape_cast %reduce_sum3A_148 : vector<1xf32> to vector<1x1x1xf32>
      %reduce_sum3A_150 = vector.extract %reduce_sum3A_149[0, 0, 0] : f32 from vector<1x1x1xf32>
      %neg3A = arith.constant 0.000000e+00 : f32
      %neg3A_151 = arith.subf %neg3A, %reduce_sum3A_150 : f32
      %exp3A = math.exp %neg3A_151 : f32
      %swap3A_152 = arith.constant 0 : index
      %swap3A_153 = arith.constant 0 : index
      %swap3A_154 = memref.load %arg12[%swap3A_152, %swap3A_153] : memref<1x1xf32, #tpu.memory_space<smem>>
      memref.store %exp3A, %arg12[%swap3A_152, %swap3A_153] : memref<1x1xf32, #tpu.memory_space<smem>>
    } else {
    }
    return
  }
  func.func @transform_0(%arg0: i32) -> (i32, i32) {
    %c0_i32 = arith.constant 0 : i32
    %c0_i32_0 = arith.constant 0 : i32
    return %arg0, %c0_i32 : i32, i32
  }
  func.func @transform_1(%arg0: i32) -> (i32, i32) {
    %c0_i32 = arith.constant 0 : i32
    %c0_i32_0 = arith.constant 0 : i32
    return %arg0, %c0_i32 : i32, i32
  }
  func.func @transform_2(%arg0: i32) -> (i32, i32) {
    %c0_i32 = arith.constant 0 : i32
    %c0_i32_0 = arith.constant 0 : i32
    %c0_i32_1 = arith.constant 0 : i32
    return %c0_i32, %c0_i32_0 : i32, i32
  }
  func.func @transform_3(%arg0: i32) -> i32 {
    %c0_i32 = arith.constant 0 : i32
    %c0_i32_0 = arith.constant 0 : i32
    return %c0_i32 : i32
  }
  func.func @transform_4(%arg0: i32) -> (i32, i32) {
    %c0_i32 = arith.constant 0 : i32
    %c0_i32_0 = arith.constant 0 : i32
    %c0_i32_1 = arith.constant 0 : i32
    return %c0_i32, %c0_i32_0 : i32, i32
  }
  func.func @transform_5(%arg0: i32) -> i32 {
    %c0_i32 = arith.constant 0 : i32
    %c0_i32_0 = arith.constant 0 : i32
    return %c0_i32 : i32
  }
  func.func @transform_6(%arg0: i32) -> (i32, i32) {
    %c0_i32 = arith.constant 0 : i32
    %c0_i32_0 = arith.constant 0 : i32
    %c0_i32_1 = arith.constant 0 : i32
    return %c0_i32, %c0_i32_0 : i32, i32
  }
  func.func @transform_7(%arg0: i32) -> (i32, i32) {
    %c0_i32 = arith.constant 0 : i32
    %c0_i32_0 = arith.constant 0 : i32
    return %arg0, %c0_i32 : i32, i32
  }
  func.func @transform_8(%arg0: i32) -> (i32, i32, i32) {
    %c0_i32 = arith.constant 0 : i32
    %c0_i32_0 = arith.constant 0 : i32
    %c0_i32_1 = arith.constant 0 : i32
    return %arg0, %c0_i32, %c0_i32_0 : i32, i32, i32
  }
  func.func @transform_9(%arg0: i32) -> (i32, i32) {
    %c0_i32 = arith.constant 0 : i32
    %c0_i32_0 = arith.constant 0 : i32
    %c0_i32_1 = arith.constant 0 : i32
    return %c0_i32, %c0_i32_0 : i32, i32
  }
  func.func @transform_10(%arg0: i32) -> (i32, i32) {
    %c0_i32 = arith.constant 0 : i32
    %c0_i32_0 = arith.constant 0 : i32
    %c0_i32_1 = arith.constant 0 : i32
    return %c0_i32, %c0_i32_0 : i32, i32
  }
  func.func @transform_11(%arg0: i32) -> (i32, i32) {
    %c0_i32 = arith.constant 0 : i32
    %c0_i32_0 = arith.constant 0 : i32
    %c0_i32_1 = arith.constant 0 : i32
    return %c0_i32, %c0_i32_0 : i32, i32
  }
}

</mosaic_0001>

<sc_bundles>
// kernel: kernel.4.cloned.1.call-start
scs
__scs_entry_jumppad:
0x0: {  	(pc) =	sbr.rel $0x88, $3  }
0x1: {  	(tag) =	ssettag $0x0;
	lr =	simm.s32 $0x1  }
0x2: {  	[smem:$0x3F9A] =	sst lr;
	_ =	strace $0xD0000000  }
0x3: {  	_ = 	snop  }
0x4: {  	_ = 	snop  }
0x5: {  	_ = 	snop  }
0x6: {  	_ = 	snop  }
0x7: {  	_ = 	snop  }
__scs_overlays_trampoline_lowered:
0x8: {  	[smem:$0x3FA9] =	sst s0  }
0x9: {  	[smem:$0x3FAA] =	sst s1  }
0xa: {  	[smem:$0x3FAB] =	sst s2  }
0xb: {  	[smem:$0x3FAC] =	sst s3  }
0xc: {  	[smem:$0x3FAD] =	sst s4  }
0xd: {  	[smem:$0x3FAE] =	sst s5  }
0xe: {  	[smem:$0x3FAF] =	sst s6  }
0xf: {  	[smem:$0x3FB0] =	sst s7  }
0x10: {  	[smem:$0x3FB1] =	sst s8  }
0x11: {  	[smem:$0x3FB2] =	sst s9;
	s0 =	simm.s32 @!p0 $0x0  }
0x12: {  	s1 =	sld [smem:$0x3F98];
	s0 =	simm.s32 @p0 $0x1  }
0x13: {  	[smem:$0x3FB3] =	sst s0;
	s0 =	simm.s32 @!p1 $0x0  }
0x14: {  	s2 =	sld [smem:$0x3F97];
	s0 =	simm.s32 @p1 $0x1  }
0x15: {  	[smem:$0x3FB4] =	sst s0;
	s0 =	simm.s32 @!p2 $0x0  }
0x16: {  	s3 =	sld [smem:$0x3FDB];
	s0 =	simm.s32 @p2 $0x1  }
0x17: {  	s4 =	simm.s32 $0x1BF5;
	[smem:$0x3FB6] =	sst s0  }
0x18: {  	s0 =	sld [smem:$0x3F99];
	_ =	swait.ge [sflag:s4], $0x0  }
0x19: {  	s7 =	sld [smem:$0x3F9A]  }
0x1a: {  	s8 =	sadd.s32 $0xFFFFE003, lr  }
0x1b: {  	s9 =	sadd.s32 $0xFFFFFEF7, lr;
	s5 =	simm.s32 $0xFFFFFFFF;
	p2 =	slt.u32 s8, $0xFFFFF086  }
0x1c: {  	p1 =	slt.u32 s9, $0xF7A;
	s5 =	simm.s32 @!p2 $0x0  }
0x1d: {  	s5 =	simm.s32 @p1 $0x1;
	p0 =	seq.s32 s7, s2  }
0x1e: {  	s7 =	smul.u32 @!p0 $0xF7A, s2;
	p2 =	seq.s32 @!p0 s5, $0x0  }
0x1f: {  	s9 =	smul.u32 $0xF7A, s1;
	s8 =	simm.s32 @!p0 $0x1BF5;
	p2 =	por !p2, p0  }
0x20: {  	[sflag:s8] =	ssyncset.s32 @!p0 $0xFFFFF086;
	s6 =	sadd.s32 @!p0 s3, s7;
	s7 =	simm.s32 @!p0 $0x108  }
0x21: {  	s3 =	sadd.s32 s3, s9;
	s6 =	sadd.s32 @!p0 $0x88, s6;
	s7 =	simm.s32 @p2 $0x1082  }
0x22: {  	[simem:s7], [sflag:s8] =	dma.local @!p0 [hbm:s6], $0xF7A  }
0x23: {  	s9 =	sor.u32 $0xD0000000, s2;
	s6 =	simm.s32 $0x108;
	_ =	swait.ge @!p0 [sflag:s8], $0x0  }
0x24: {  	s3 =	sadd.s32 $0x88, s3;
	s6 =	simm.s32 @!p1 $0x1082;
	[sflag:s4] =	ssyncset.s32 $0xFFFFF086  }
0x25: {  	[simem:s6], [sflag:s4] =	dma.local [hbm:s3], $0xF7A  }
0x26: {  	[smem:$0x3F9A] =	sst s1;
	(tag) =	ssettag s2;
	_ =	strace s9  }
0x27: {  	s1 =	sld [smem:$0x3FAA]  }
0x28: {  	s2 =	sld [smem:$0x3FAB]  }
0x29: {  	s4 =	sld [smem:$0x3FAD]  }
0x2a: {  	p0 =	seq.s32 s5, $0x0;
	s5 =	sld [smem:$0x3FAE]  }
0x2b: {  	s6 =	sld [smem:$0x3FAF]  }
0x2c: {  	s7 =	sld [smem:$0x3FB0]  }
0x2d: {  	s3 =	simm.s32 $0x108;
	s8 =	sld [smem:$0x3FB1]  }
0x2e: {  	s3 =	simm.s32 @!p0 $0x1082;
	s9 =	sld [smem:$0x3FB2]  }
0x2f: {  	lr =	sadd.s32 s0, s3;
	s0 =	sld [smem:$0x3FA9]  }
0x30: {  	s3 =	sld [smem:$0x3FAC]  }
0x31: {  	[smem:$0x3FB5] =	sst s10  }
0x32: {  	s10 =	sld [smem:$0x3FB3];
	_ =	sdelay $0x3  }
0x33: {  	p0 =	seq.s32 s10, $0x1;
	s10 =	sld [smem:$0x3FB5];
	_ =	sdelay $0x3  }
0x34: {  	[smem:$0x3FB5] =	sst s10  }
0x35: {  	s10 =	sld [smem:$0x3FB4];
	_ =	sdelay $0x3  }
0x36: {  	p1 =	seq.s32 s10, $0x1;
	s10 =	sld [smem:$0x3FB5];
	_ =	sdelay $0x3  }
0x37: {  	[smem:$0x3FB5] =	sst s10  }
0x38: {  	s10 =	sld [smem:$0x3FB6]  }
0x39: {  	_ = 	snop;
	(pc) =	sbr.ind lr, $3  }
0x3a: {  	_ = 	snop  }
0x3b: {  	_ = 	snop  }
0x3c: {  	p2 =	seq.s32 s10, $0x1;
	s10 =	sld [smem:$0x3FB5]  }
0x3d: {  	_ =	shalt  }
0x3e: {  	_ =	shalt  }
0x3f: {  	_ =	shalt  }
0x40: {  	_ =	shalt  }
0x41: {  	_ =	shalt  }
0x42: {  	_ =	shalt  }
0x43: {  	_ =	shalt  }
0x44: {  	_ =	shalt  }
0x45: {  	_ =	shalt  }
0x46: {  	_ =	shalt  }
0x47: {  	_ =	shalt  }
0x48: {  	_ =	shalt  }
0x49: {  	_ =	shalt  }
0x4a: {  	_ =	shalt  }
0x4b: {  	_ =	shalt  }
0x4c: {  	_ =	shalt  }
0x4d: {  	_ =	shalt  }
0x4e: {  	_ =	shalt  }
0x4f: {  	_ =	shalt  }
0x50: {  	_ =	shalt  }
0x51: {  	_ =	shalt  }
0x52: {  	_ =	shalt  }
0x53: {  	_ =	shalt  }
0x54: {  	_ =	shalt  }
0x55: {  	_ =	shalt  }
0x56: {  	_ =	shalt  }
0x57: {  	_ =	shalt  }
0x58: {  	_ =	shalt  }
0x59: {  	_ =	shalt  }
0x5a: {  	_ =	shalt  }
0x5b: {  	_ =	shalt  }
0x5c: {  	_ =	shalt  }
0x5d: {  	_ =	shalt  }
0x5e: {  	_ =	shalt  }
0x5f: {  	_ =	shalt  }
0x60: {  	_ =	shalt  }
0x61: {  	_ =	shalt  }
0x62: {  	_ =	shalt  }
0x63: {  	_ =	shalt  }
0x64: {  	_ =	shalt  }
0x65: {  	_ =	shalt  }
0x66: {  	_ =	shalt  }
0x67: {  	_ =	shalt  }
0x68: {  	_ =	shalt  }
0x69: {  	_ =	shalt  }
0x6a: {  	_ =	shalt  }
0x6b: {  	_ =	shalt  }
0x6c: {  	_ =	shalt  }
0x6d: {  	_ =	shalt  }
0x6e: {  	_ =	shalt  }
0x6f: {  	_ =	shalt  }
0x70: {  	_ =	shalt  }
0x71: {  	_ =	shalt  }
0x72: {  	_ =	shalt  }
0x73: {  	_ =	shalt  }
0x74: {  	_ =	shalt  }
0x75: {  	_ =	shalt  }
0x76: {  	_ =	shalt  }
0x77: {  	_ =	shalt  }
0x78: {  	_ =	shalt  }
0x79: {  	_ =	shalt  }
0x7a: {  	_ =	shalt  }
0x7b: {  	_ =	shalt  }
0x7c: {  	_ =	shalt  }
0x7d: {  	_ =	shalt  }
0x7e: {  	_ =	shalt  }
0x7f: {  	_ =	shalt  }
0x80: {  	_ =	shalt  }
0x81: {  	_ =	shalt  }
0x82: {  	_ =	shalt  }
0x83: {  	_ =	shalt  }
0x84: {  	_ =	shalt  }
0x85: {  	_ =	shalt  }
0x86: {  	_ =	shalt  }
0x87: {  	_ =	shalt  }
.Lfunc_end0:
.L_simem_size_0:
called_computation_lowered:
.L_overlay_start_0:
0x88: {  	s2 =	sld [smem:$0x3FD9]  }
0x89: {  	s3 =	sld [smem:$0x3FFE];
	_ =	sdelay $0x1  }
0x8a: {  	s1 =	srdreg.scid  }
0x8b: {  	s0 =	sand.u32 $0x1, s1  }
0x8c: {  	s14 =	sshll.u32 s0, $0xA;
	s2 =	sadd.s32 s3, s2  }
0x8d: {  	s2 =	sadd.s32 s2, s14  }
0x8e: {  	[smem:$0x3FC1] =	sst s2  }
0x8f: {  	_ = 	snop  }
0x90: {  	s2 =	sld [smem:$0x3FD0];
	_ =	sdelay $0x2  }
0x91: {  	s15 =	simm.s32 $0xA;
	s4 =	simm.s32 $0x10  }
0x92: {  	[smem:s4], [sflag:s15] =	dma.local [hbm:s2], $0x1  }
0x93: {  	_ =	swait.eq [sflag:s15], $0x1  }
0x94: {  	[sflag:s15] =	ssyncset.done $0x0  }
0x95: {  	[sflag:s15] =	ssyncadd.s32 $0xFFFFFFFF  }
0x96: {  	s16 =	sld [smem:$0x10];
	(tm) =	ssettm $0x1  }
0x97: {  	s17 =	sld [smem:$0x3FFB];
	_ =	sdelay $0x3  }
0x98: {  	_ =	strace s17  }
0x99: {  	s3 =	sld [smem:$0x3FFC];
	_ =	sdelay $0x3  }
0x9a: {  	_ =	strace s3  }
0x9b: {  	s3 =	sld [smem:$0x3FFD];
	_ =	sdelay $0x3  }
0x9c: {  	_ =	strace s3  }
0x9d: {  	_ =	strace $0x8FFFFFFF  }
0x9e: {  	s18 =	sld [smem:$0x3FDB];
	_ =	sdelay $0x1  }
0x9f: {  	s19 =	simm.s32 $_scs_section_size  }
0xa0: {  	s5 =	simm.s32 $_size__tile_overlayer_lowered;
	s6 =	simm.s32 $_tile_overlayer_lowered  }
0xa1: {  	s22 =	simm.s32 $0x1BFF;
	s21 =	sshll.u32 s6, $0x1;
	s3 =	sadd.s32 s19, s18  }
0xa2: {  	s7 =	simm.s32 $0x0;
	s20 =	sshll.u32 s5, $0x1;
	s5 =	sadd.s32 s21, s3  }
0xa3: {  	[timem:s7], [sflag:s22] =	dma.local [hbm:s5], s20  }
0xa4: {  	_ =	swait.ge [sflag:s22], s20  }
0xa5: {  	s4 =	ssub.s32 $0x0, s20;
	[sflag:s22] =	ssyncset.done $0x0  }
0xa6: {  	[sflag:s22] =	ssyncadd.s32 s4;
	_ =	sdelay $0x1  }
0xa7: {  	s23 =	simm.s32 $0x1B8B  }
0xa8: {  	_ =	swait.ge [sflag:s23], $0x1  }
0xa9: {  	[sflag:s23] =	ssyncset.done $0x0  }
0xaa: {  	s25 =	simm.s32 $0x1B8E;
	s24 =	sld [smem:$0x3FFE];
	[sflag:s23] =	ssyncadd.s32 $0xFFFFFFFF  }
0xab: {  	s26 =	simm.s32 $execute0_lowered;
	[smem:$0x3FD2] =	sst s25  }
0xac: {  	s5 =	sshll.u32 s26, $0x1;
	_ =	strace $0x80000046;
	[dreg:$0x1] =	wrdreg $0xFFFFFFFF  }
0xad: {  	s28 =	simm.s32 $_size_execute0_lowered;
	s3 =	sadd.s32 s3, s5;
	[dreg:$0x0] =	wrdreg $0x0  }
0xae: {  	s5 =	sshll.u32 s28, $0x1;
	[dreg:$0x2] =	wrdreg s3  }
0xaf: {  	[dreg:$0x3] =	wrdreg s5  }
0xb0: {  	[dreg:$0x4] =	wrdreg $0xC0  }
0xb1: {  	_ =	task [dreg:s7], $0x5FFFF  }
0xb2: {  	[dreg:$0x1] =	wrdreg $0xFFFFFFFF  }
0xb3: {  	[dreg:$0x0] =	wrdreg $0x60  }
0xb4: {  	[dreg:$0x2] =	wrdreg s16  }
0xb5: {  	[dreg:$0x3] =	wrdreg s24  }
0xb6: {  	[dreg:$0x4] =	wrdreg $0x9  }
0xb7: {  	_ =	task.clear_ibuf [dreg:s7], $0x5FFFF;
	_ =	strace $0x90000046  }
0xb8: {  	s29 =	simm.s32 $0x9;
	_ =	strace $0x80000048  }
0xb9: {  	_ =	swait.ge [sflag:s29], $0x1  }
0xba: {  	[sflag:s29] =	ssyncadd.s32 $0xFFFFFFFF  }
0xbb: {  	_ =	strace $0x90000048  }
0xbc: {  	_ =	sfence  }
0xbd: {  	s30 =	sld [smem:$0x0];
	_ =	sdelay $0x2  }
0xbe: {  	s31 =	sshll.u32 s1, $0xD;
	s1 =	sshrl.u32 s1, $0x2  }
0xbf: {  	s3 =	sand.u32 $0x4000, s31;
	s1 =	sadd.s32 s1, s30  }
0xc0: {  	s0 =	sor.u32 s3, s0;
	s1 =	sshll.u32 s1, $0x11  }
0xc1: {  	s0 =	sor.u32 s1, s0  }
0xc2: {  	s0 =	sadd.s32 $0x8F2B, s0  }
0xc3: {  	[sflag:s0] =	ssyncadd.remote.s32 $0x1  }
0xc4: {  	_ =	sfence.sel $0xFFFF  }
0xc5: {  	[dreg:$0x0] =	wrdreg $0xFFFFFFFF;
	(pc) =	sbr.abs _section_cstart, $3  }
0xc6: {  	[dreg:$0x1] =	wrdreg $0xFFFFFFFF  }
0xc7: {  	_ =	task.clear_ibuf [dreg:s7], $0x2FFFF;
	_ =	strace $0x9FFFFFFF  }
0xc8: {  	(tm) =	ssettm $0x7FFFFFFF  }
0xc9: {  	_ =	shalt  }
tec
execute0_lowered:
.L_overlay_start_1:
0x0: {  	(tag) =	ssettag $0x1  }
0x1: {  	s1 =	srdreg.scid  }
0x2: {  	s0 =	stileid.u32;
	s6 =	sand.u32 $0x1, s1  }
0x3: {  	s2 =	rddreg [dreg:$0x0];
	s30 =	sshll.u32 s0, $0x7;
	s3 =	sshll.u32 s6, $0x6  }
0x4: {  	s8 =	rddreg [dreg:$0x1];
	s7 =	simm.s32 $0x1;
	s9 =	sor.u32 s3, s30  }
0x5: {  	s1 =	rddreg [dreg:$0x2];
	s3 =	simm.s32 $0x0;
	s4 =	sshrl.u32 s9, $0x3  }
0x6: {  	s10 =	ssub.s32 $0x2, s6;
	[smem:$0x7FF] =	sst s3;
	s4 =	sadd.s32 s4, s8  }
0x7: {  	_ =	strace $0x80000047;
	s5 =	sadd.s32 $0x1000, s4;
	s4 =	simm.s32 $0x2  }
0x8: {  	[tilespmem:s3], [sflag:$0x2] =	stream.linear.gather [hbm4b:s5+s3], $0x40, $0x38;
	[tilespmem:$0x1040] =	vst v63  }
0x9: {  	s6 =	simm.s32 $0x40;
	s11 =	sshrl.u32 s10, $0x1;
	_ =	swait.ge [sflag:s4], $0x40  }
0xa: {  	s9 =	sshll.u32 s9, $0x3;
	s31 =	ssub.s32 s10, s11;
	[sflag:s4] =	ssyncset.done $0x0  }
0xb: {  	s8 =	sadd.s32 s9, s8;
	s9 =	smax.u32 s31, $0x1;
	[sflag:s4] =	ssyncadd.s32 $0xFFFFFFC0  }
0xc: {  	[tilespmem:s6], [sflag:$0x1] =	stream.indirect.gather [hbm4b:s2+s6], $0x40, s3, s6, $0xb8;
	[tilespmem:$0x1040] =	vst v63  }
0xd: {  	p0 =	sne.s32 s9, $0x1;
	_ =	swait.ge [sflag:s7], $0x1000  }
.Ltmp0:
0xe: {  	[sflag:s7] =	ssyncset.done $0x0;
	(pc) =	sbr.rel @!p0 .LBB2_2-.Ltmp0, $4  }
0xf: {  	s8 =	sadd.s32 $0x1200, s8;
	[sflag:s7] =	ssyncadd.s32 $0xFFFFF000  }
0x10: {  	[hbm4b:s8+s3] =	stream.linear.scatter [tilespmem:s6], [sflag:$0x2], $0x1000, $0x38;
	[tilespmem:$0x1040] =	vst v63  }
0x11: {  	_ =	swait.ge [sflag:s4], $0x1000  }
0x12: {  	s9 =	sadd.s32 $0xFFFFFFFF, s9;
	[sflag:s4] =	ssyncset.done $0x0  }
.LBB2_1:
0x13: {  	p0 =	sne.s32 s9, $0x1;
	s9 =	sadd.s32 $0xFFFFFFFF, s9;
	[sflag:s4] =	ssyncadd.s32 $0xFFFFF000  }
0x14: {  	[tilespmem:s3], [sflag:$0x2] =	stream.linear.gather [hbm4b:s5+s3], $0x40, $0x38;
	[tilespmem:$0x1040] =	vst v63  }
0x15: {  	_ =	swait.ge [sflag:s4], $0x40  }
0x16: {  	[sflag:s4] =	ssyncset.done $0x0  }
0x17: {  	[sflag:s4] =	ssyncadd.s32 $0xFFFFFFC0  }
0x18: {  	[tilespmem:s6], [sflag:$0x1] =	stream.indirect.gather [hbm4b:s2+s6], $0x40, s3, s6, $0xb8;
	[tilespmem:$0x1040] =	vst v63  }
0x19: {  	_ =	swait.ge [sflag:s7], $0x1000  }
.Ltmp1:
0x1a: {  	[sflag:s7] =	ssyncset.done $0x0;
	(pc) =	sbr.rel @p0 .LBB2_1-.Ltmp1, $4  }
0x1b: {  	[sflag:s7] =	ssyncadd.s32 $0xFFFFF000  }
0x1c: {  	[hbm4b:s8+s3] =	stream.linear.scatter [tilespmem:s6], [sflag:$0x2], $0x1000, $0x38;
	[tilespmem:$0x1040] =	vst v63  }
0x1d: {  	_ =	swait.ge [sflag:s4], $0x1000  }
0x1e: {  	[sflag:s4] =	ssyncset.done $0x0  }
.LBB2_2:
0x1f: {  	[sflag:s4] =	ssyncadd.s32 $0xFFFFF000  }
0x20: {  	_ =	sfence.sel $0x180000  }
0x21: {  	[bflag:$0x0] =	sbarrier.arrive $0xFFFF  }
0x22: {  	p0 =	sne.s32 s0, $0x0;
	_ =	strace $0x90000047  }
0x23: {  	s0 =	sadd.s32 @!p0 $0x100000, s1;
	[bflag:$0x2] =	sbarrier.arrive $0xFFFF  }
0x24: {  	[sflag:s0] =	ssyncadd.tile.s32 @!p0 $0x1;
	_ =	shalt  }
.Lfunc_end2:
_tile_overlayer_lowered:
.L_overlay_start_2:
0x25: {  	(tag) =	ssettag $0x2  }
0x26: {  	s0 =	rddreg [dreg:$0x0];
	s2 =	stileid.u32  }
0x27: {  	s1 =	rddreg [dreg:$0x1];
	p0 =	sne.s32 s2, $0x0  }
0x28: {  	s3 =	rddreg [dreg:$0x2];
	[bflag:$0x3] =	sbarrier.arrive $0xFFFF;
	s2 =	simm.s32 @!p0 $0x1C02  }
0x29: {  	[timem:s3], [sflag:s2] =	dma.local @!p0 [hbm:s0], s1  }
0x2a: {  	s0 =	simm.s32 @!p0 $0x2  }
0x2b: {  	_ =	swait.ge @!p0 [sflag:s0], s1  }
0x2c: {  	s1 =	ssub.s32 @!p0 $0x0, s1;
	[sflag:s0] =	ssyncset.done @!p0 $0x0  }
0x2d: {  	[sflag:s0] =	ssyncadd.s32 @!p0 s1  }
0x2e: {  	[bflag:$0x3] =	sbarrier.arrive $0xFFFF  }
0x2f: {  	_ =	shalt  }

</sc_bundles>
